<compile_context>
chip_gen: v7x
topology: tpu7x:2x2x1
jax: 0.10.2.dev20260603
libtpu: 0.0.44.dev20260713+nightly
codegen_flags: <defaults>
</compile_context>

<pallas_src>
import functools

import jax
import jax.numpy as jnp
from jax import lax
from jax.experimental import pallas as pl
from jax.experimental.pallas import tpu as pltpu
from jax.experimental.pallas import tpu_sc as plsc

BATCH = 4096
SEQ = 200
EMBED_DIM = 128
LANES = 16
NREG = EMBED_DIM // LANES

NC = 2
NS = 16
NW = NC * NS
B_PER_W = BATCH // NW


def _sc_pool_body(idxt_hbm, table_hbm, out_hbm, idx_v, buf, sem, stage_sem):
    wid = lax.axis_index("s") * NC + lax.axis_index("c")
    n0 = wid * B_PER_W
    stage = pltpu.async_copy(
        idxt_hbm.at[pl.ds(0, SEQ), pl.ds(n0, B_PER_W)], idx_v, stage_sem)

    zero = jnp.zeros((LANES,), jnp.float32)

    def zb(k, c):
        for g in range(NREG):
            buf[k, pl.ds(g * LANES, LANES)] = zero
        return c

    lax.fori_loop(0, B_PER_W, zb, 0)
    stage.wait()

    def fire_s(s, c):
        pltpu.async_copy(table_hbm.at[idx_v.at[s]], buf, sem, add=True)
        return c

    lax.fori_loop(0, SEQ, fire_s, 0)

    def drain_s(s, c):
        pltpu.make_async_copy(table_hbm.at[idx_v.at[0]], buf, sem).wait()
        return c

    lax.fori_loop(0, SEQ, drain_s, 0)
    pltpu.sync_copy(buf, out_hbm.at[pl.ds(n0, B_PER_W)])


@functools.lru_cache(maxsize=1)
def _make_sc_pool():
    return pl.kernel(
        _sc_pool_body,
        out_type=jax.ShapeDtypeStruct((BATCH, EMBED_DIM), jnp.float32),
        mesh=plsc.VectorSubcoreMesh(core_axis_name="c", subcore_axis_name="s"),
        compiler_params=pltpu.CompilerParams(use_tc_tiling_on_sc=True),
        scratch_types=[
            pltpu.VMEM((SEQ, B_PER_W), jnp.int32),
            pltpu.VMEM((B_PER_W, EMBED_DIM), jnp.float32),
            pltpu.SemaphoreType.DMA,
            pltpu.SemaphoreType.DMA,
        ],
    )


def _tc_head_body(x_ref, w_ref, b_ref, o_ref):
    x = x_ref[...]
    w = w_ref[...]
    logits = lax.dot_general(
        w, x, (((1,), (1,)), ((), ())), preferred_element_type=jnp.float32
    )
    logits = logits + b_ref[...]
    m = jnp.max(logits, axis=0, keepdims=True)
    s = logits - m
    lse = jnp.log(jnp.sum(jnp.exp(s), axis=0, keepdims=True))
    o_ref[...] = s - lse


def _tc_head(pooled, W, bcol):
    n_classes = W.shape[0]
    bm = 1024
    grid = (BATCH // bm,)
    out_t = pl.pallas_call(
        _tc_head_body,
        grid=grid,
        in_specs=[
            pl.BlockSpec((bm, EMBED_DIM), lambda i: (i, 0)),
            pl.BlockSpec((n_classes, EMBED_DIM), lambda i: (0, 0)),
            pl.BlockSpec((n_classes, 1), lambda i: (0, 0)),
        ],
        out_specs=pl.BlockSpec((n_classes, bm), lambda i: (0, i)),
        out_shape=jax.ShapeDtypeStruct((n_classes, BATCH), jnp.float32),
    )(pooled, W, bcol)
    return out_t.T


def kernel(inputs, emb_table, W, b):
    pooled = _make_sc_pool()(inputs.T, emb_table)
    return _tc_head(pooled, W, b.reshape(-1, 1))

# --- scband reference (transcript-rebuilt; emitter-appended) ---
"""Pipeline reference for scband-log-reg-44564580663878 (READ-ONLY COPY).

The authoritative reference and input builder live on the scoring server;
editing this copy changes nothing except your own understanding.
"""

import jax, jax.numpy as jnp
import numpy as np

BATCH = 4096
SEQ = 200
VOCAB = 100000
EMBED_DIM = 128
NUM_CLASSES = 1000


def setup_inputs(seed: int = 0) -> dict:
    key = jax.random.key(seed)
    k1, k2, k3 = jax.random.split(key, 3)
    inputs = jax.random.randint(k1, (BATCH, SEQ), 0, VOCAB, dtype=jnp.int64 if jax.config.jax_enable_x64 else jnp.int32)
    emb_table = jax.random.normal(k2, (VOCAB, EMBED_DIM), dtype=jnp.float32)
    W = jax.random.normal(k3, (NUM_CLASSES, EMBED_DIM), dtype=jnp.float32) * 0.01
    b = jnp.zeros((NUM_CLASSES,), dtype=jnp.float32)
    return {"inputs": inputs, "emb_table": emb_table, "W": W, "b": b}


def reference(inputs, emb_table, W, b):
    # embed1 = self.embed1(inputs)  -> gather rows from pretrained table
    embed1 = jnp.take(emb_table, inputs, axis=0)  # [B, L, D]
    embed1 = embed1.astype(jnp.float32)
    # sum over sequence dimension
    sum_embed1 = embed1.sum(axis=1)  # [B, D]
    # linear1 followed by log_softmax over classes
    logits = sum_embed1 @ W.T + b  # [B, C]
    return jax.nn.log_softmax(logits, axis=1)

if __name__ == "__main__":
    import jax
    _d = setup_inputs()
    print(jax.jit(kernel)(*tuple(_d.values())))

</pallas_src>

<mosaic_0001>
#map = affine_map<(d0, d1) -> (0, 0)>
module attributes {stable_mosaic.version = 14 : i64} {
  func.func @_sc_pool_body(%arg0: i32, %arg1: i32, %arg2: memref<200x4096xi32, #tpu.memory_space<hbm>>, %arg3: memref<100000x128xf32, #tpu.memory_space<hbm>>, %arg4: memref<4096x128xf32, #tpu.memory_space<hbm>>, %arg5: memref<200x128xi32, #tpu.memory_space<vmem>>, %arg6: memref<128x128xf32, #tpu.memory_space<vmem>>, %arg7: memref<!tpu.dma_semaphore, #tpu.memory_space<semaphore_mem>>, %arg8: memref<!tpu.dma_semaphore, #tpu.memory_space<semaphore_mem>>) attributes {dimension_semantics = [#tpu.dimension_semantics<core_parallel>, #tpu.dimension_semantics<subcore_parallel>], iteration_bounds = array<i64: 2, 16>, scalar_prefetch = 0 : i64, scratch_operands = 4 : i64, tpu.core_type = #tpu.core_type<sc_vector_subcore>, window_params = [{transform_indices = #map}, {transform_indices = #map}, {transform_indices = #map}]} {
    %mul3A = arith.constant 2 : i32
    %mul3A_0 = arith.muli %arg1, %mul3A : i32
    %add3A = arith.addi %mul3A_0, %arg0 : i32
    %mul3A_1 = arith.constant 128 : i32
    %mul3A_2 = arith.muli %add3A, %mul3A_1 : i32
    %dma_start3A = arith.constant 0 : i32
    %dma_start3A_3 = tpu.memref_slice %arg2[%dma_start3A, %mul3A_2] : memref<200x4096xi32, #tpu.memory_space<hbm>> -> memref<200x128xi32, #tpu.memory_space<hbm>>
    %dma_start3A_4 = arith.constant 0 : i32
    %dma_start3A_5 = tpu.memref_slice %arg2[%dma_start3A_4, %mul3A_2] : memref<200x4096xi32, #tpu.memory_space<hbm>> -> memref<200x128xi32, #tpu.memory_space<hbm>>
    tpu.enqueue_dma source(%dma_start3A_5 : memref<200x128xi32, #tpu.memory_space<hbm>>) target(%arg5 : memref<200x128xi32, #tpu.memory_space<vmem>>) target_semaphore(%arg8 : memref<!tpu.dma_semaphore, #tpu.memory_space<semaphore_mem>>)
    %broadcast_in_dim3A = arith.constant 0.000000e+00 : f32
    %broadcast_in_dim3A_6 = vector.broadcast %broadcast_in_dim3A : f32 to vector<16xf32>
    %scan3A = arith.constant 0 : i32
    %scan3A_7 = arith.constant 0 : i32
    %scan3A_8 = arith.constant 128 : i32
    %scan3A_9 = arith.addi %scan3A_7, %scan3A_8 : i32
    %scan3A_10 = arith.constant 1 : i32
    scf.for %scan3A_27 = %scan3A_7 to %scan3A_9 step %scan3A_10  : i32 {
      %swap3A = arith.index_cast %scan3A_27 : i32 to index
      %swap3A_28 = arith.constant 0 : index
      %swap3A_29 = tpu.vector_load %arg6[%swap3A, %swap3A_28] {strides = array<i32>} : memref<128x128xf32, #tpu.memory_space<vmem>>, vector<1x16xf32>,
      %swap3A_30 = vector.shape_cast %swap3A_29 : vector<1x16xf32> to vector<16xf32>
      %swap3A_31 = vector.shape_cast %broadcast_in_dim3A_6 : vector<16xf32> to vector<1x16xf32>
      tpu.vector_store %arg6[%swap3A, %swap3A_28], %swap3A_31 {strides = array<i32>} : memref<128x128xf32, #tpu.memory_space<vmem>>, vector<1x16xf32>,
      %swap3A_32 = arith.index_cast %scan3A_27 : i32 to index
      %swap3A_33 = arith.constant 16 : index
      %swap3A_34 = tpu.vector_load %arg6[%swap3A_32, %swap3A_33] {strides = array<i32>} : memref<128x128xf32, #tpu.memory_space<vmem>>, vector<1x16xf32>,
      %swap3A_35 = vector.shape_cast %swap3A_34 : vector<1x16xf32> to vector<16xf32>
      %swap3A_36 = vector.shape_cast %broadcast_in_dim3A_6 : vector<16xf32> to vector<1x16xf32>
      tpu.vector_store %arg6[%swap3A_32, %swap3A_33], %swap3A_36 {strides = array<i32>} : memref<128x128xf32, #tpu.memory_space<vmem>>, vector<1x16xf32>,
      %swap3A_37 = arith.index_cast %scan3A_27 : i32 to index
      %swap3A_38 = arith.constant 32 : index
      %swap3A_39 = tpu.vector_load %arg6[%swap3A_37, %swap3A_38] {strides = array<i32>} : memref<128x128xf32, #tpu.memory_space<vmem>>, vector<1x16xf32>,
      %swap3A_40 = vector.shape_cast %swap3A_39 : vector<1x16xf32> to vector<16xf32>
      %swap3A_41 = vector.shape_cast %broadcast_in_dim3A_6 : vector<16xf32> to vector<1x16xf32>
      tpu.vector_store %arg6[%swap3A_37, %swap3A_38], %swap3A_41 {strides = array<i32>} : memref<128x128xf32, #tpu.memory_space<vmem>>, vector<1x16xf32>,
      %swap3A_42 = arith.index_cast %scan3A_27 : i32 to index
      %swap3A_43 = arith.constant 48 : index
      %swap3A_44 = tpu.vector_load %arg6[%swap3A_42, %swap3A_43] {strides = array<i32>} : memref<128x128xf32, #tpu.memory_space<vmem>>, vector<1x16xf32>,
      %swap3A_45 = vector.shape_cast %swap3A_44 : vector<1x16xf32> to vector<16xf32>
      %swap3A_46 = vector.shape_cast %broadcast_in_dim3A_6 : vector<16xf32> to vector<1x16xf32>
      tpu.vector_store %arg6[%swap3A_42, %swap3A_43], %swap3A_46 {strides = array<i32>} : memref<128x128xf32, #tpu.memory_space<vmem>>, vector<1x16xf32>,
      %swap3A_47 = arith.index_cast %scan3A_27 : i32 to index
      %swap3A_48 = arith.constant 64 : index
      %swap3A_49 = tpu.vector_load %arg6[%swap3A_47, %swap3A_48] {strides = array<i32>} : memref<128x128xf32, #tpu.memory_space<vmem>>, vector<1x16xf32>,
      %swap3A_50 = vector.shape_cast %swap3A_49 : vector<1x16xf32> to vector<16xf32>
      %swap3A_51 = vector.shape_cast %broadcast_in_dim3A_6 : vector<16xf32> to vector<1x16xf32>
      tpu.vector_store %arg6[%swap3A_47, %swap3A_48], %swap3A_51 {strides = array<i32>} : memref<128x128xf32, #tpu.memory_space<vmem>>, vector<1x16xf32>,
      %swap3A_52 = arith.index_cast %scan3A_27 : i32 to index
      %swap3A_53 = arith.constant 80 : index
      %swap3A_54 = tpu.vector_load %arg6[%swap3A_52, %swap3A_53] {strides = array<i32>} : memref<128x128xf32, #tpu.memory_space<vmem>>, vector<1x16xf32>,
      %swap3A_55 = vector.shape_cast %swap3A_54 : vector<1x16xf32> to vector<16xf32>
      %swap3A_56 = vector.shape_cast %broadcast_in_dim3A_6 : vector<16xf32> to vector<1x16xf32>
      tpu.vector_store %arg6[%swap3A_52, %swap3A_53], %swap3A_56 {strides = array<i32>} : memref<128x128xf32, #tpu.memory_space<vmem>>, vector<1x16xf32>,
      %swap3A_57 = arith.index_cast %scan3A_27 : i32 to index
      %swap3A_58 = arith.constant 96 : index
      %swap3A_59 = tpu.vector_load %arg6[%swap3A_57, %swap3A_58] {strides = array<i32>} : memref<128x128xf32, #tpu.memory_space<vmem>>, vector<1x16xf32>,
      %swap3A_60 = vector.shape_cast %swap3A_59 : vector<1x16xf32> to vector<16xf32>
      %swap3A_61 = vector.shape_cast %broadcast_in_dim3A_6 : vector<16xf32> to vector<1x16xf32>
      tpu.vector_store %arg6[%swap3A_57, %swap3A_58], %swap3A_61 {strides = array<i32>} : memref<128x128xf32, #tpu.memory_space<vmem>>, vector<1x16xf32>,
      %swap3A_62 = arith.index_cast %scan3A_27 : i32 to index
      %swap3A_63 = arith.constant 112 : index
      %swap3A_64 = tpu.vector_load %arg6[%swap3A_62, %swap3A_63] {strides = array<i32>} : memref<128x128xf32, #tpu.memory_space<vmem>>, vector<1x16xf32>,
      %swap3A_65 = vector.shape_cast %swap3A_64 : vector<1x16xf32> to vector<16xf32>
      %swap3A_66 = vector.shape_cast %broadcast_in_dim3A_6 : vector<16xf32> to vector<1x16xf32>
      tpu.vector_store %arg6[%swap3A_62, %swap3A_63], %swap3A_66 {strides = array<i32>} : memref<128x128xf32, #tpu.memory_space<vmem>>, vector<1x16xf32>,
    }
    %scan3A_11 = arith.constant 128 : i32
    %dma_wait3A = arith.constant 0 : i32
    %dma_wait3A_12 = tpu.memref_slice %arg2[%dma_wait3A, %mul3A_2] : memref<200x4096xi32, #tpu.memory_space<hbm>> -> memref<200x128xi32, #tpu.memory_space<hbm>>
    %dma_wait3A_13 = arith.constant 0 : i32
    %dma_wait3A_14 = tpu.memref_slice %arg2[%dma_wait3A_13, %mul3A_2] : memref<200x4096xi32, #tpu.memory_space<hbm>> -> memref<200x128xi32, #tpu.memory_space<hbm>>
    tpu.wait_dma2 semaphore(%arg8 : memref<!tpu.dma_semaphore, #tpu.memory_space<semaphore_mem>>) src(%dma_wait3A_14 : memref<200x128xi32, #tpu.memory_space<hbm>>) dst(%arg5 : memref<200x128xi32, #tpu.memory_space<vmem>>)
    %scan3A_15 = arith.constant 0 : i32
    %scan3A_16 = arith.constant 0 : i32
    %scan3A_17 = arith.constant 200 : i32
    %scan3A_18 = arith.addi %scan3A_16, %scan3A_17 : i32
    %scan3A_19 = arith.constant 1 : i32
    scf.for %scan3A_27 = %scan3A_16 to %scan3A_18 step %scan3A_19  : i32 {
      %dma_start3A_28 = arith.constant 0 : i32
      %dma_start3A_29 = tpu.memref_slice %arg5[%scan3A_27, %dma_start3A_28] : memref<200x128xi32, #tpu.memory_space<vmem>> -> memref<1x128xi32, #tpu.memory_space<vmem>>
      %dma_start3A_30 = tpu.memref_squeeze %dma_start3A_29 : memref<1x128xi32, #tpu.memory_space<vmem>> -> memref<128xi32, #tpu.memory_space<vmem>>
      %dma_start3A_31 = arith.constant 0 : i32
      %dma_start3A_32 = arith.constant 0 : i32
      %dma_start3A_33 = tpu.memref_slice %arg3[%dma_start3A_31, %dma_start3A_32] : memref<100000x128xf32, #tpu.memory_space<hbm>> -> memref<100000x128xf32, #tpu.memory_space<hbm>>
      tpu.enqueue_indirect_dma source(%dma_start3A_33 : memref<100000x128xf32, #tpu.memory_space<hbm>>) target(%arg6 : memref<128x128xf32, #tpu.memory_space<vmem>>) offsets(%dma_start3A_30 : memref<128xi32, #tpu.memory_space<vmem>>) semaphore(%arg7 : memref<!tpu.dma_semaphore, #tpu.memory_space<semaphore_mem>>) {add = true}
    }
    %scan3A_20 = arith.constant 200 : i32
    %scan3A_21 = arith.constant 0 : i32
    %scan3A_22 = arith.constant 0 : i32
    %scan3A_23 = arith.constant 200 : i32
    %scan3A_24 = arith.addi %scan3A_22, %scan3A_23 : i32
    %scan3A_25 = arith.constant 1 : i32
    scf.for %scan3A_27 = %scan3A_22 to %scan3A_24 step %scan3A_25  : i32 {
      %dma_wait3A_28 = arith.constant 0 : i32
      %dma_wait3A_29 = arith.constant 0 : i32
      %dma_wait3A_30 = tpu.memref_slice %arg5[%dma_wait3A_28, %dma_wait3A_29] : memref<200x128xi32, #tpu.memory_space<vmem>> -> memref<1x128xi32, #tpu.memory_space<vmem>>
      %dma_wait3A_31 = tpu.memref_squeeze %dma_wait3A_30 : memref<1x128xi32, #tpu.memory_space<vmem>> -> memref<128xi32, #tpu.memory_space<vmem>>
      %dma_wait3A_32 = arith.constant 0 : i32
      %dma_wait3A_33 = arith.constant 0 : i32
      %dma_wait3A_34 = tpu.memref_slice %arg3[%dma_wait3A_32, %dma_wait3A_33] : memref<100000x128xf32, #tpu.memory_space<hbm>> -> memref<100000x128xf32, #tpu.memory_space<hbm>>
      tpu.wait_indirect_dma semaphore(%arg7 : memref<!tpu.dma_semaphore, #tpu.memory_space<semaphore_mem>>) src(%dma_wait3A_34 : memref<100000x128xf32, #tpu.memory_space<hbm>>) dst(%arg6 : memref<128x128xf32, #tpu.memory_space<vmem>>)
    }
    %scan3A_26 = arith.constant 200 : i32
    "tpu.region"() ({
      %run_scoped3A = tpu.sem_alloc : memref<!tpu.dma_semaphore, #tpu.memory_space<semaphore_mem>>
      %dma_start3A_27 = arith.constant 0 : i32
      %dma_start3A_28 = tpu.memref_slice %arg4[%mul3A_2, %dma_start3A_27] : memref<4096x128xf32, #tpu.memory_space<hbm>> -> memref<128x128xf32, #tpu.memory_space<hbm>>
      %dma_start3A_29 = arith.constant 0 : i32
      %dma_start3A_30 = tpu.memref_slice %arg4[%mul3A_2, %dma_start3A_29] : memref<4096x128xf32, #tpu.memory_space<hbm>> -> memref<128x128xf32, #tpu.memory_space<hbm>>
      tpu.enqueue_dma source(%arg6 : memref<128x128xf32, #tpu.memory_space<vmem>>) target(%dma_start3A_30 : memref<128x128xf32, #tpu.memory_space<hbm>>) target_semaphore(%run_scoped3A : memref<!tpu.dma_semaphore, #tpu.memory_space<semaphore_mem>>)
      %dma_wait3A_31 = arith.constant 0 : i32
      %dma_wait3A_32 = tpu.memref_slice %arg4[%mul3A_2, %dma_wait3A_31] : memref<4096x128xf32, #tpu.memory_space<hbm>> -> memref<128x128xf32, #tpu.memory_space<hbm>>
      %dma_wait3A_33 = arith.constant 0 : i32
      %dma_wait3A_34 = tpu.memref_slice %arg4[%mul3A_2, %dma_wait3A_33] : memref<4096x128xf32, #tpu.memory_space<hbm>> -> memref<128x128xf32, #tpu.memory_space<hbm>>
      tpu.wait_dma2 semaphore(%run_scoped3A : memref<!tpu.dma_semaphore, #tpu.memory_space<semaphore_mem>>) src(%arg6 : memref<128x128xf32, #tpu.memory_space<vmem>>) dst(%dma_wait3A_34 : memref<128x128xf32, #tpu.memory_space<hbm>>)
      tpu.yield
    }) : () -> ()
    return
  }
}

module attributes {stable_mosaic.version = 14 : i64} {
  func.func @_tc_head_body(%arg0: i32, %arg1: memref<1024x128xf32, #tpu.memory_space<vmem>>, %arg2: memref<1000x128xf32, #tpu.memory_space<vmem>>, %arg3: memref<1000x1xf32, #tpu.memory_space<vmem>>, %arg4: memref<1000x1024xf32, #tpu.memory_space<vmem>>) attributes {dimension_semantics = [#tpu.dimension_semantics<arbitrary>], iteration_bounds = array<i64: 4>, scalar_prefetch = 0 : i64, scratch_operands = 0 : i64, tpu.core_type = #tpu.core_type<tc>, window_params = [{transform_indices = @transform_0, window_bounds = array<i64: 1024, 128>}, {pipeline_mode = #tpu.pipeline_mode<synchronous>, transform_indices = @transform_1, window_bounds = array<i64: 1000, 128>}, {pipeline_mode = #tpu.pipeline_mode<synchronous>, transform_indices = @transform_2, window_bounds = array<i64: 1000, 1>}, {transform_indices = @transform_3, window_bounds = array<i64: 1000, 1024>}]} {
    %get3A = arith.constant 0 : index
    %get3A_0 = arith.constant 0 : index
    %get3A_1 = vector.load %arg1[%get3A, %get3A_0] : memref<1024x128xf32, #tpu.memory_space<vmem>>, vector<1024x128xf32>
    %get3A_2 = arith.constant 0 : index
    %get3A_3 = arith.constant 0 : index
    %get3A_4 = vector.load %arg2[%get3A_2, %get3A_3] : memref<1000x128xf32, #tpu.memory_space<vmem>>, vector<1000x128xf32>
    %dot_general3A = arith.constant dense<0.000000e+00> : vector<1000x1024xf32>
    %dot_general3A_5 = tpu.matmul %get3A_4, %get3A_1, %dot_general3A {dimension_numbers = #tpu.dot_dimension_numbers<[1], [1], [0], [0], [0, 0, 1, 0], [], []>, transpose_lhs_hint = false} : vector<1000x128xf32>, vector<1024x128xf32>, vector<1000x1024xf32> -> vector<1000x1024xf32>
    %get3A_6 = arith.constant 0 : index
    %get3A_7 = arith.constant 0 : index
    %get3A_8 = vector.load %arg3[%get3A_6, %get3A_7] : memref<1000x1xf32, #tpu.memory_space<vmem>>, vector<1000x1xf32>
    %add3A = vector.broadcast %get3A_8 : vector<1000x1xf32> to vector<1000x1024xf32>
    %add3A_9 = arith.addf %dot_general3A_5, %add3A : vector<1000x1024xf32>
    %reduce_max3A = arith.constant dense<0xFF800000> : vector<1024xf32>
    %reduce_max3A_10 = vector.multi_reduction <maximumf>, %add3A_9, %reduce_max3A [0] : vector<1000x1024xf32> to vector<1024xf32>
    %broadcast_in_dim3A = vector.shape_cast %reduce_max3A_10 : vector<1024xf32> to vector<1x1024xf32>
    %sub3A = vector.broadcast %broadcast_in_dim3A : vector<1x1024xf32> to vector<1000x1024xf32>
    %sub3A_11 = arith.subf %add3A_9, %sub3A : vector<1000x1024xf32>
    %exp3A = math.exp %sub3A_11 : vector<1000x1024xf32>
    %reduce_sum3A = arith.constant dense<0.000000e+00> : vector<1024xf32>
    %reduce_sum3A_12 = vector.multi_reduction <add>, %exp3A, %reduce_sum3A [0] : vector<1000x1024xf32> to vector<1024xf32>
    %broadcast_in_dim3A_13 = vector.shape_cast %reduce_sum3A_12 : vector<1024xf32> to vector<1x1024xf32>
    %log3A = math.log %broadcast_in_dim3A_13 : vector<1x1024xf32>
    %sub3A_14 = vector.broadcast %log3A : vector<1x1024xf32> to vector<1000x1024xf32>
    %sub3A_15 = arith.subf %sub3A_11, %sub3A_14 : vector<1000x1024xf32>
    %swap3A = arith.constant 0 : index
    %swap3A_16 = arith.constant 0 : index
    %swap3A_17 = vector.load %arg4[%swap3A, %swap3A_16] : memref<1000x1024xf32, #tpu.memory_space<vmem>>, vector<1000x1024xf32>
    tpu.vector_store %arg4[%swap3A, %swap3A_16], %sub3A_15 {strides = array<i32>} : memref<1000x1024xf32, #tpu.memory_space<vmem>>, vector<1000x1024xf32>,
    return
  }
  func.func @transform_0(%arg0: i32) -> (i32, i32) {
    %c0_i32 = arith.constant 0 : i32
    %c0_i32_0 = arith.constant 0 : i32
    return %arg0, %c0_i32 : i32, i32
  }
  func.func @transform_1(%arg0: i32) -> (i32, i32) {
    %c0_i32 = arith.constant 0 : i32
    %c0_i32_0 = arith.constant 0 : i32
    %c0_i32_1 = arith.constant 0 : i32
    return %c0_i32, %c0_i32_0 : i32, i32
  }
  func.func @transform_2(%arg0: i32) -> (i32, i32) {
    %c0_i32 = arith.constant 0 : i32
    %c0_i32_0 = arith.constant 0 : i32
    %c0_i32_1 = arith.constant 0 : i32
    return %c0_i32, %c0_i32_0 : i32, i32
  }
  func.func @transform_3(%arg0: i32) -> (i32, i32) {
    %c0_i32 = arith.constant 0 : i32
    %c0_i32_0 = arith.constant 0 : i32
    return %c0_i32, %arg0 : i32, i32
  }
}

</mosaic_0001>

<sc_bundles>
// kernel: kernel.4.cloned.1.call-start
scs
__scs_entry_jumppad:
0x0: {  	(pc) =	sbr.rel $0x88, $3  }
0x1: {  	(tag) =	ssettag $0x0;
	lr =	simm.s32 $0x1  }
0x2: {  	[smem:$0x3F9D] =	sst lr;
	_ =	strace $0xD0000000  }
0x3: {  	_ = 	snop  }
0x4: {  	_ = 	snop  }
0x5: {  	_ = 	snop  }
0x6: {  	_ = 	snop  }
0x7: {  	_ = 	snop  }
__scs_overlays_trampoline_lowered:
0x8: {  	[smem:$0x3FAC] =	sst s0  }
0x9: {  	[smem:$0x3FAD] =	sst s1  }
0xa: {  	[smem:$0x3FAE] =	sst s2  }
0xb: {  	[smem:$0x3FAF] =	sst s3  }
0xc: {  	[smem:$0x3FB0] =	sst s4  }
0xd: {  	[smem:$0x3FB1] =	sst s5  }
0xe: {  	[smem:$0x3FB2] =	sst s6  }
0xf: {  	[smem:$0x3FB3] =	sst s7  }
0x10: {  	[smem:$0x3FB4] =	sst s8  }
0x11: {  	[smem:$0x3FB5] =	sst s9;
	s0 =	simm.s32 @!p0 $0x0  }
0x12: {  	s1 =	sld [smem:$0x3F9B];
	s0 =	simm.s32 @p0 $0x1  }
0x13: {  	[smem:$0x3FB6] =	sst s0;
	s0 =	simm.s32 @!p1 $0x0  }
0x14: {  	s2 =	sld [smem:$0x3F9A];
	s0 =	simm.s32 @p1 $0x1  }
0x15: {  	[smem:$0x3FB7] =	sst s0;
	s0 =	simm.s32 @!p2 $0x0  }
0x16: {  	s3 =	sld [smem:$0x3FDB];
	s0 =	simm.s32 @p2 $0x1  }
0x17: {  	s4 =	simm.s32 $0x1BF5;
	[smem:$0x3FB9] =	sst s0  }
0x18: {  	s0 =	sld [smem:$0x3F9C];
	_ =	swait.ge [sflag:s4], $0x0  }
0x19: {  	s7 =	sld [smem:$0x3F9D]  }
0x1a: {  	s8 =	sadd.s32 $0xFFFFE003, lr  }
0x1b: {  	s9 =	sadd.s32 $0xFFFFFEF7, lr;
	s5 =	simm.s32 $0xFFFFFFFF;
	p2 =	slt.u32 s8, $0xFFFFF086  }
0x1c: {  	p1 =	slt.u32 s9, $0xF7A;
	s5 =	simm.s32 @!p2 $0x0  }
0x1d: {  	s5 =	simm.s32 @p1 $0x1;
	p0 =	seq.s32 s7, s2  }
0x1e: {  	s7 =	smul.u32 @!p0 $0xF7A, s2;
	p2 =	seq.s32 @!p0 s5, $0x0  }
0x1f: {  	s9 =	smul.u32 $0xF7A, s1;
	s8 =	simm.s32 @!p0 $0x1BF5;
	p2 =	por !p2, p0  }
0x20: {  	[sflag:s8] =	ssyncset.s32 @!p0 $0xFFFFF086;
	s6 =	sadd.s32 @!p0 s3, s7;
	s7 =	simm.s32 @!p0 $0x108  }
0x21: {  	s3 =	sadd.s32 s3, s9;
	s6 =	sadd.s32 @!p0 $0x88, s6;
	s7 =	simm.s32 @p2 $0x1082  }
0x22: {  	[simem:s7], [sflag:s8] =	dma.local @!p0 [hbm:s6], $0xF7A  }
0x23: {  	s9 =	sor.u32 $0xD0000000, s2;
	s6 =	simm.s32 $0x108;
	_ =	swait.ge @!p0 [sflag:s8], $0x0  }
0x24: {  	s3 =	sadd.s32 $0x88, s3;
	s6 =	simm.s32 @!p1 $0x1082;
	[sflag:s4] =	ssyncset.s32 $0xFFFFF086  }
0x25: {  	[simem:s6], [sflag:s4] =	dma.local [hbm:s3], $0xF7A  }
0x26: {  	[smem:$0x3F9D] =	sst s1;
	(tag) =	ssettag s2;
	_ =	strace s9  }
0x27: {  	s1 =	sld [smem:$0x3FAD]  }
0x28: {  	s2 =	sld [smem:$0x3FAE]  }
0x29: {  	s4 =	sld [smem:$0x3FB0]  }
0x2a: {  	p0 =	seq.s32 s5, $0x0;
	s5 =	sld [smem:$0x3FB1]  }
0x2b: {  	s6 =	sld [smem:$0x3FB2]  }
0x2c: {  	s7 =	sld [smem:$0x3FB3]  }
0x2d: {  	s3 =	simm.s32 $0x108;
	s8 =	sld [smem:$0x3FB4]  }
0x2e: {  	s3 =	simm.s32 @!p0 $0x1082;
	s9 =	sld [smem:$0x3FB5]  }
0x2f: {  	lr =	sadd.s32 s0, s3;
	s0 =	sld [smem:$0x3FAC]  }
0x30: {  	s3 =	sld [smem:$0x3FAF]  }
0x31: {  	[smem:$0x3FB8] =	sst s10  }
0x32: {  	s10 =	sld [smem:$0x3FB6];
	_ =	sdelay $0x3  }
0x33: {  	p0 =	seq.s32 s10, $0x1;
	s10 =	sld [smem:$0x3FB8];
	_ =	sdelay $0x3  }
0x34: {  	[smem:$0x3FB8] =	sst s10  }
0x35: {  	s10 =	sld [smem:$0x3FB7];
	_ =	sdelay $0x3  }
0x36: {  	p1 =	seq.s32 s10, $0x1;
	s10 =	sld [smem:$0x3FB8];
	_ =	sdelay $0x3  }
0x37: {  	[smem:$0x3FB8] =	sst s10  }
0x38: {  	s10 =	sld [smem:$0x3FB9]  }
0x39: {  	_ = 	snop;
	(pc) =	sbr.ind lr, $3  }
0x3a: {  	_ = 	snop  }
0x3b: {  	_ = 	snop  }
0x3c: {  	p2 =	seq.s32 s10, $0x1;
	s10 =	sld [smem:$0x3FB8]  }
0x3d: {  	_ =	shalt  }
0x3e: {  	_ =	shalt  }
0x3f: {  	_ =	shalt  }
0x40: {  	_ =	shalt  }
0x41: {  	_ =	shalt  }
0x42: {  	_ =	shalt  }
0x43: {  	_ =	shalt  }
0x44: {  	_ =	shalt  }
0x45: {  	_ =	shalt  }
0x46: {  	_ =	shalt  }
0x47: {  	_ =	shalt  }
0x48: {  	_ =	shalt  }
0x49: {  	_ =	shalt  }
0x4a: {  	_ =	shalt  }
0x4b: {  	_ =	shalt  }
0x4c: {  	_ =	shalt  }
0x4d: {  	_ =	shalt  }
0x4e: {  	_ =	shalt  }
0x4f: {  	_ =	shalt  }
0x50: {  	_ =	shalt  }
0x51: {  	_ =	shalt  }
0x52: {  	_ =	shalt  }
0x53: {  	_ =	shalt  }
0x54: {  	_ =	shalt  }
0x55: {  	_ =	shalt  }
0x56: {  	_ =	shalt  }
0x57: {  	_ =	shalt  }
0x58: {  	_ =	shalt  }
0x59: {  	_ =	shalt  }
0x5a: {  	_ =	shalt  }
0x5b: {  	_ =	shalt  }
0x5c: {  	_ =	shalt  }
0x5d: {  	_ =	shalt  }
0x5e: {  	_ =	shalt  }
0x5f: {  	_ =	shalt  }
0x60: {  	_ =	shalt  }
0x61: {  	_ =	shalt  }
0x62: {  	_ =	shalt  }
0x63: {  	_ =	shalt  }
0x64: {  	_ =	shalt  }
0x65: {  	_ =	shalt  }
0x66: {  	_ =	shalt  }
0x67: {  	_ =	shalt  }
0x68: {  	_ =	shalt  }
0x69: {  	_ =	shalt  }
0x6a: {  	_ =	shalt  }
0x6b: {  	_ =	shalt  }
0x6c: {  	_ =	shalt  }
0x6d: {  	_ =	shalt  }
0x6e: {  	_ =	shalt  }
0x6f: {  	_ =	shalt  }
0x70: {  	_ =	shalt  }
0x71: {  	_ =	shalt  }
0x72: {  	_ =	shalt  }
0x73: {  	_ =	shalt  }
0x74: {  	_ =	shalt  }
0x75: {  	_ =	shalt  }
0x76: {  	_ =	shalt  }
0x77: {  	_ =	shalt  }
0x78: {  	_ =	shalt  }
0x79: {  	_ =	shalt  }
0x7a: {  	_ =	shalt  }
0x7b: {  	_ =	shalt  }
0x7c: {  	_ =	shalt  }
0x7d: {  	_ =	shalt  }
0x7e: {  	_ =	shalt  }
0x7f: {  	_ =	shalt  }
0x80: {  	_ =	shalt  }
0x81: {  	_ =	shalt  }
0x82: {  	_ =	shalt  }
0x83: {  	_ =	shalt  }
0x84: {  	_ =	shalt  }
0x85: {  	_ =	shalt  }
0x86: {  	_ =	shalt  }
0x87: {  	_ =	shalt  }
.Lfunc_end0:
.L_simem_size_0:
called_computation_lowered:
.L_overlay_start_0:
0x88: {  	s2 =	sld [smem:$0x3FD9]  }
0x89: {  	s3 =	sld [smem:$0x3FFE];
	_ =	sdelay $0x1  }
0x8a: {  	s1 =	srdreg.scid  }
0x8b: {  	s0 =	sand.u32 $0x1, s1  }
0x8c: {  	s18 =	sshll.u32 s0, $0xA;
	s2 =	sadd.s32 s3, s2  }
0x8d: {  	s2 =	sadd.s32 s2, s18  }
0x8e: {  	[smem:$0x3FC4] =	sst s2  }
0x8f: {  	_ = 	snop  }
0x90: {  	s2 =	sld [smem:$0x3FC9]  }
0x91: {  	s19 =	sld [smem:$0x3FC8]  }
0x92: {  	s4 =	sld [smem:$0x3FD0];
	(tm) =	ssettm $0x1  }
0x93: {  	s5 =	sld [smem:$0x3FFB];
	_ =	sdelay $0x3  }
0x94: {  	_ =	strace s5  }
0x95: {  	s5 =	sld [smem:$0x3FFC];
	_ =	sdelay $0x3  }
0x96: {  	_ =	strace s5  }
0x97: {  	s5 =	sld [smem:$0x3FFD];
	_ =	sdelay $0x3  }
0x98: {  	_ =	strace s5  }
0x99: {  	_ =	strace $0x8FFFFFFF  }
0x9a: {  	s20 =	sld [smem:$0x3FDB];
	_ =	sdelay $0x1  }
0x9b: {  	s6 =	simm.s32 $_scs_section_size  }
0x9c: {  	s7 =	simm.s32 $_size__tile_overlayer_lowered;
	s8 =	simm.s32 $_tile_overlayer_lowered  }
0x9d: {  	s23 =	simm.s32 $0x1BFF;
	s22 =	sshll.u32 s8, $0x1;
	s5 =	sadd.s32 s6, s20  }
0x9e: {  	s9 =	simm.s32 $0x0;
	s21 =	sshll.u32 s7, $0x1;
	s7 =	sadd.s32 s22, s5  }
0x9f: {  	[timem:s9], [sflag:s23] =	dma.local [hbm:s7], s21  }
0xa0: {  	_ =	swait.ge [sflag:s23], s21  }
0xa1: {  	s6 =	ssub.s32 $0x0, s21;
	[sflag:s23] =	ssyncset.done $0x0  }
0xa2: {  	[sflag:s23] =	ssyncadd.s32 s6;
	_ =	sdelay $0x1  }
0xa3: {  	s24 =	simm.s32 $0x1B8B  }
0xa4: {  	_ =	swait.ge [sflag:s24], $0x1  }
0xa5: {  	[sflag:s24] =	ssyncset.done $0x0  }
0xa6: {  	s25 =	simm.s32 $0x1B8E;
	[sflag:s24] =	ssyncadd.s32 $0xFFFFFFFF  }
0xa7: {  	s26 =	simm.s32 $execute0_lowered;
	[smem:$0x3FD2] =	sst s25  }
0xa8: {  	s6 =	sshll.u32 s26, $0x1;
	_ =	strace $0x80000046;
	[dreg:$0x1] =	wrdreg $0xFFFFFFFF  }
0xa9: {  	s28 =	simm.s32 $_size_execute0_lowered;
	s5 =	sadd.s32 s5, s6;
	[dreg:$0x0] =	wrdreg $0x0  }
0xaa: {  	s6 =	sshll.u32 s28, $0x1;
	[dreg:$0x2] =	wrdreg s5  }
0xab: {  	[dreg:$0x3] =	wrdreg s6  }
0xac: {  	[dreg:$0x4] =	wrdreg $0xC0  }
0xad: {  	_ =	task [dreg:s9], $0x5FFFF  }
0xae: {  	[dreg:$0x1] =	wrdreg $0xFFFFFFFF  }
0xaf: {  	[dreg:$0x0] =	wrdreg $0x60  }
0xb0: {  	[dreg:$0x2] =	wrdreg s2  }
0xb1: {  	[dreg:$0x3] =	wrdreg s19  }
0xb2: {  	[dreg:$0x4] =	wrdreg s4  }
0xb3: {  	[dreg:$0x5] =	wrdreg $0x9  }
0xb4: {  	_ =	task.clear_ibuf [dreg:s9], $0x6FFFF;
	_ =	strace $0x90000046  }
0xb5: {  	s29 =	simm.s32 $0x9;
	_ =	strace $0x80000048  }
0xb6: {  	_ =	swait.ge [sflag:s29], $0x1  }
0xb7: {  	[sflag:s29] =	ssyncadd.s32 $0xFFFFFFFF  }
0xb8: {  	_ =	strace $0x90000048  }
0xb9: {  	_ =	sfence  }
0xba: {  	s30 =	sld [smem:$0x0];
	_ =	sdelay $0x2  }
0xbb: {  	s31 =	sshll.u32 s1, $0xD;
	s1 =	sshrl.u32 s1, $0x2  }
0xbc: {  	s3 =	sand.u32 $0x4000, s31;
	s1 =	sadd.s32 s1, s30  }
0xbd: {  	s0 =	sor.u32 s3, s0;
	s1 =	sshll.u32 s1, $0x11  }
0xbe: {  	s0 =	sor.u32 s1, s0  }
0xbf: {  	s0 =	sadd.s32 $0x8F2B, s0  }
0xc0: {  	[sflag:s0] =	ssyncadd.remote.s32 $0x1  }
0xc1: {  	_ =	sfence.sel $0xFFFF  }
0xc2: {  	[dreg:$0x0] =	wrdreg $0xFFFFFFFF;
	(pc) =	sbr.abs _section_cstart, $3  }
0xc3: {  	[dreg:$0x1] =	wrdreg $0xFFFFFFFF  }
0xc4: {  	_ =	task.clear_ibuf [dreg:s9], $0x2FFFF;
	_ =	strace $0x9FFFFFFF  }
0xc5: {  	(tm) =	ssettm $0x7FFFFFFF  }
tec
execute0_lowered:
.L_overlay_start_1:
0x0: {  	(tag) =	ssettag $0x1  }
0x1: {  	s4 =	rddreg [dreg:$0x0]  }
0x2: {  	s2 =	rddreg [dreg:$0x1]  }
0x3: {  	s5 =	rddreg [dreg:$0x2];
	s3 =	srdreg.scid  }
0x4: {  	s0 =	rddreg [dreg:$0x3];
	s1 =	stileid.u32;
	s10 =	simm.s32 $0x80  }
0x5: {  	s11 =	simm.s32 $0x6400;
	s12 =	simm.s32 $0x1;
	s13 =	simm.s32 $0x3  }
0x6: {  	s14 =	simm.s32 $0x0;
	s6 =	sand.u32 $0x1, s3;
	s3 =	simm.s32 $0x0  }
0x7: {  	s7 =	sshll.u32 s1, $0x8;
	s8 =	sshll.u32 s6, $0x7;
	[smem:$0x7FF] =	sst s3  }
0x8: {  	s6 =	ssub.s32 $0x2, s6;
	s7 =	sor.u32 s8, s7;
	_ =	strace $0x80000047  }
0x9: {  	s31 =	sshrl.u32 s6, $0x1;
	s8 =	simm.s32 $0x8000;
	s9 =	sshll.u32 s7, $0x4  }
0xa: {  	s6 =	ssub.s32 s6, s31;
	s4 =	sadd.s32 s4, s7;
	s7 =	simm.s32 $0x400  }
0xb: {  	v0 =	vimm.f32 $0.0e+00;
	s5 =	sadd.s32 s5, s9;
	s6 =	smax.u32 s6, $0x1;
	s9 =	simm.s32 $0x2  }
.LBB2_1:
0xc: {  	[tilespmem:s3], [sflag:$0x2] =	stream.strided.gather [hbm4b:s4+s7], $0x6400, s8, s7, $0x38;
	[tilespmem:$0xA400] =	vst v63  }
0xd: {  	s15 =	simm.s32 $0x0;
	s16 =	simm.s32 $0x200  }
.LBB2_2:
0xe: {  	p0 =	sne.s32 s16, $0xFE00;
	[tilespmem:s15+$0x6470] =	vst v0  }
0xf: {  	[tilespmem:s15+$0x6400] =	vst v0  }
0x10: {  	[tilespmem:s15+$0x6410] =	vst v0  }
.Ltmp0:
0x11: {  	[tilespmem:s15+$0x6420] =	vst v0;
	(pc) =	sbr.rel @p0 .LBB2_2-.Ltmp0, $4  }
0x12: {  	[tilespmem:s15+$0x6430] =	vst v0  }
0x13: {  	[tilespmem:s15+$0x6440] =	vst v0  }
0x14: {  	[tilespmem:s15+$0x6450] =	vst v0  }
0x15: {  	[tilespmem:s15+$0x6460] =	vst v0;
	s15 =	sshra.s32 s16, $0x2;
	s16 =	sadd.s32 $0x200, s16  }
0x16: {  	[tilespmem:s15+$0x6470] =	vst v0  }
0x17: {  	[tilespmem:s15+$0x6400] =	vst v0  }
0x18: {  	[tilespmem:s15+$0x6410] =	vst v0  }
0x19: {  	[tilespmem:s15+$0x6420] =	vst v0  }
0x1a: {  	[tilespmem:s15+$0x6430] =	vst v0  }
0x1b: {  	[tilespmem:s15+$0x6440] =	vst v0  }
0x1c: {  	[tilespmem:s15+$0x6450] =	vst v0  }
0x1d: {  	[tilespmem:s15+$0x6460] =	vst v0  }
0x1e: {  	_ =	swait.ge [sflag:s9], $0x6400  }
0x1f: {  	[sflag:s9] =	ssyncset.done $0x0  }
0x20: {  	s15 =	simm.s32 $0x0;
	[sflag:s9] =	ssyncadd.s32 $0xFFFF9C00  }
.LBB2_4:
0x21: {  	p0 =	sne.s32 s15, $0x18E00  }
.Ltmp1:
0x22: {  	_ = 	snop;
	(pc) =	sbr.rel @p0 .LBB2_4-.Ltmp1, $3  }
0x23: {  	_ =	sdelay $0x1  }
0x24: {  	s16 =	sshra.s32 s15, $0x2;
	s15 =	sadd.s32 $0x200, s15  }
0x25: {  	[tilespmem:s11], [sflag:$0x1] =	stream.indirect.gather.add.f32 [hbm:s2], $0x80, s16, s10, $0xb8;
	[tilespmem:$0xA400] =	vst v63  }
0x26: {  	_ =	swait.ge [sflag:s12], $0x4000  }
0x27: {  	s15 =	simm.s32 $0xC7;
	[sflag:s12] =	ssyncset.done $0x0  }
.LBB2_6:
0x28: {  	p0 =	sne.s32 s15, $0x1;
	s15 =	sadd.s32 $0xFFFFFFFF, s15;
	[sflag:s12] =	ssyncadd.s32 $0xFFFFC000  }
.Ltmp2:
0x29: {  	(pc) =	sbr.rel @p0 .LBB2_6-.Ltmp2, $3  }
0x2a: {  	_ =	sdelay $0x1  }
0x2b: {  	_ =	swait.ge [sflag:s12], $0x4000  }
0x2c: {  	[sflag:s12] =	ssyncset.done $0x0  }
0x2d: {  	s14 =	sadd.s32 $0x1, s14  }
0x2e: {  	p0 =	sne.s32 s14, s6  }
.Ltmp3:
0x2f: {  	[sflag:s12] =	ssyncadd.s32 $0xFFFFC000;
	(pc) =	sbr.rel @p0 .LBB2_1-.Ltmp3, $4  }
0x30: {  	[hbm4b:s5+s3] =	stream.linear.scatter [tilespmem:s11], [sflag:$0x3], $0x4000, $0x38;
	[tilespmem:$0xA400] =	vst v63  }
0x31: {  	_ =	swait.ge [sflag:s13], $0x4000  }
0x32: {  	[sflag:s13] =	ssyncset.done $0x0  }
0x33: {  	[sflag:s13] =	ssyncadd.s32 $0xFFFFC000  }
0x34: {  	_ =	sfence.sel $0x180000  }
0x35: {  	[bflag:$0x0] =	sbarrier.arrive $0xFFFF  }
0x36: {  	p0 =	sne.s32 s1, $0x0;
	_ =	strace $0x90000047  }
0x37: {  	s0 =	sadd.s32 @!p0 $0x100000, s0;
	[bflag:$0x2] =	sbarrier.arrive $0xFFFF  }
0x38: {  	[sflag:s0] =	ssyncadd.tile.s32 @!p0 $0x1;
	_ =	shalt  }
.Lfunc_end2:
_tile_overlayer_lowered:
.L_overlay_start_2:
0x39: {  	(tag) =	ssettag $0x2  }
0x3a: {  	s0 =	rddreg [dreg:$0x0];
	s2 =	stileid.u32  }
0x3b: {  	s1 =	rddreg [dreg:$0x1];
	p0 =	sne.s32 s2, $0x0  }
0x3c: {  	s3 =	rddreg [dreg:$0x2];
	[bflag:$0x3] =	sbarrier.arrive $0xFFFF;
	s2 =	simm.s32 @!p0 $0x1C03  }
0x3d: {  	[timem:s3], [sflag:s2] =	dma.local @!p0 [hbm:s0], s1  }
0x3e: {  	s0 =	simm.s32 @!p0 $0x3  }
0x3f: {  	_ =	swait.ge @!p0 [sflag:s0], s1  }
0x40: {  	s1 =	ssub.s32 @!p0 $0x0, s1;
	[sflag:s0] =	ssyncset.done @!p0 $0x0  }
0x41: {  	[sflag:s0] =	ssyncadd.s32 @!p0 s1  }
0x42: {  	[bflag:$0x3] =	sbarrier.arrive $0xFFFF  }
0x43: {  	_ =	shalt  }

</sc_bundles>
